<compile_context>
chip_gen: v7x
topology: tpu7x:2x2x1
jax: 0.10.2.dev20260603
libtpu: 0.0.44.dev20260713+nightly
codegen_flags: <defaults>
</compile_context>

<pallas_src>
import jax
import jax.numpy as jnp
from jax.experimental import pallas as pl
from jax.experimental.pallas import tpu as pltpu

_TOPK = 8
_TEMP = 0.1
_EPS = 1e-07


def _fused_body(z_ref, p_ref, sim_ref, out_ref):
    z = z_ref[...]
    p = p_ref[...]
    zn = z / (jnp.sqrt(jnp.sum(z * z, axis=-1, keepdims=True)) + _EPS)
    pn = p / (jnp.sqrt(jnp.sum(p * p, axis=-1, keepdims=True)) + _EPS)
    sim = jax.lax.dot_general(
        zn, pn, (((1,), (1,)), ((), ())),
        preferred_element_type=jnp.float32,
    ) * (1.0 / _TEMP)
    sim_ref[...] = sim

    run = sim
    m1 = jnp.max(run, axis=-1, keepdims=True)
    cur = m1
    for _ in range(_TOPK - 1):
        run = jnp.where(run >= cur, -jnp.inf, run)
        cur = jnp.max(run, axis=-1, keepdims=True)
    t8 = cur

    w = jnp.where(sim >= t8, jnp.exp(sim - m1), 0.0)
    denom = jnp.sum(w, axis=-1, keepdims=True)
    comb = jax.lax.dot_general(
        w, p, (((1,), (0,)), ((), ())),
        preferred_element_type=jnp.float32,
    )
    out_ref[...] = comb / denom


def _pick_block(total: int, target: int = 1024) -> int:
    best = 1
    for t in range(8, target + 1, 8):
        if total % t == 0:
            best = t
    return best if best > 1 else total


def kernel(z, proto_embs):
    b, l, d = z.shape
    k = proto_embs.shape[0]
    total = b * l
    t_blk = _pick_block(total)
    grid = (total // t_blk,)

    zf = z.reshape(total, d)
    sim_flat, out_flat = pl.pallas_call(
        _fused_body,
        grid=grid,
        in_specs=[
            pl.BlockSpec((t_blk, d), lambda i: (i, 0)),
            pl.BlockSpec((k, d), lambda i: (0, 0)),
        ],
        out_specs=[
            pl.BlockSpec((t_blk, k), lambda i: (i, 0)),
            pl.BlockSpec((t_blk, d), lambda i: (i, 0)),
        ],
        out_shape=[
            jax.ShapeDtypeStruct((total, k), jnp.float32),
            jax.ShapeDtypeStruct((total, d), jnp.float32),
        ],
        compiler_params=pltpu.CompilerParams(
            dimension_semantics=("parallel",),
        ),
    )(zf, proto_embs)
    return out_flat.reshape(b, l, d), sim_flat.reshape(b, l, k)

# --- scband reference (transcript-rebuilt; emitter-appended) ---
"""Pipeline reference for scband-interest-protos-38568806318193 (READ-ONLY COPY).

The authoritative reference and input builder live on the scoring server;
editing this copy changes nothing except your own understanding.
"""

import jax, jax.numpy as jnp
import numpy as np

PROTO_TOPK = 8
TEMP = 0.1
EPS = 1e-07


def setup_inputs(seed: int = 0) -> dict:
    key = jax.random.key(seed)
    k1, k2 = jax.random.split(key)
    z = jax.random.normal(k1, (4096, 50, 64), dtype=jnp.float32)
    proto_embs = jax.random.normal(k2, (512, 64), dtype=jnp.float32)
    return {"z": z, "proto_embs": proto_embs}


def reference(z, proto_embs):
    # cosine similarity between token embeddings and interest prototypes
    z_n = z / (jnp.linalg.norm(z, axis=-1, keepdims=True) + EPS)
    p_n = proto_embs / (jnp.linalg.norm(proto_embs, axis=-1, keepdims=True) + EPS)
    sim = jnp.einsum('bld,kd->blk', z_n, p_n) / TEMP  # [B, L, K]
    # top-k prototype assignment (soft VQ)
    top_vals, top_idx = jax.lax.top_k(sim, PROTO_TOPK)  # [B, L, topk]
    weights = jax.nn.softmax(top_vals, axis=-1)
    gathered = jnp.take(proto_embs, top_idx, axis=0)  # [B, L, topk, d]
    out = jnp.einsum('blk,blkd->bld', weights, gathered)  # [B, L, d]
    return out, sim

if __name__ == "__main__":
    import jax
    _d = setup_inputs()
    print(jax.jit(kernel)(*tuple(_d.values())))

</pallas_src>

<mosaic_0001>
module attributes {stable_mosaic.version = 14 : i64} {
  func.func @_fused_body(%arg0: i32, %arg1: memref<1024x64xf32, #tpu.memory_space<vmem>>, %arg2: memref<512x64xf32, #tpu.memory_space<vmem>>, %arg3: memref<1024x512xf32, #tpu.memory_space<vmem>>, %arg4: memref<1024x64xf32, #tpu.memory_space<vmem>>) attributes {dimension_semantics = [#tpu.dimension_semantics<parallel>], iteration_bounds = array<i64: 200>, scalar_prefetch = 0 : i64, scratch_operands = 0 : i64, tpu.core_type = #tpu.core_type<tc>, window_params = [{transform_indices = @transform_0, window_bounds = array<i64: 1024, 64>}, {pipeline_mode = #tpu.pipeline_mode<synchronous>, transform_indices = @transform_1, window_bounds = array<i64: 512, 64>}, {transform_indices = @transform_2, window_bounds = array<i64: 1024, 512>}, {transform_indices = @transform_3, window_bounds = array<i64: 1024, 64>}]} {
    %get3A = arith.constant 0 : index
    %get3A_0 = arith.constant 0 : index
    %get3A_1 = vector.load %arg1[%get3A, %get3A_0] : memref<1024x64xf32, #tpu.memory_space<vmem>>, vector<1024x64xf32>
    %get3A_2 = arith.constant 0 : index
    %get3A_3 = arith.constant 0 : index
    %get3A_4 = vector.load %arg2[%get3A_2, %get3A_3] : memref<512x64xf32, #tpu.memory_space<vmem>>, vector<512x64xf32>
    %mul3A = arith.mulf %get3A_1, %get3A_1 : vector<1024x64xf32>
    %reduce_sum3A = arith.constant dense<0.000000e+00> : vector<1024xf32>
    %reduce_sum3A_5 = vector.multi_reduction <add>, %mul3A, %reduce_sum3A [1] : vector<1024x64xf32> to vector<1024xf32>
    %broadcast_in_dim3A = vector.shape_cast %reduce_sum3A_5 : vector<1024xf32> to vector<1024x1xf32>
    %sqrt3A = math.sqrt %broadcast_in_dim3A : vector<1024x1xf32>
    %add3A = arith.constant 1.000000e-07 : f32
    %add3A_6 = vector.broadcast %add3A : f32 to vector<1024x1xf32>
    %add3A_7 = arith.addf %sqrt3A, %add3A_6 : vector<1024x1xf32>
    %div3A = vector.broadcast %add3A_7 : vector<1024x1xf32> to vector<1024x64xf32>
    %div3A_8 = arith.divf %get3A_1, %div3A : vector<1024x64xf32>
    %mul3A_9 = arith.mulf %get3A_4, %get3A_4 : vector<512x64xf32>
    %reduce_sum3A_10 = arith.constant dense<0.000000e+00> : vector<512xf32>
    %reduce_sum3A_11 = vector.multi_reduction <add>, %mul3A_9, %reduce_sum3A_10 [1] : vector<512x64xf32> to vector<512xf32>
    %broadcast_in_dim3A_12 = vector.shape_cast %reduce_sum3A_11 : vector<512xf32> to vector<512x1xf32>
    %sqrt3A_13 = math.sqrt %broadcast_in_dim3A_12 : vector<512x1xf32>
    %add3A_14 = arith.constant 1.000000e-07 : f32
    %add3A_15 = vector.broadcast %add3A_14 : f32 to vector<512x1xf32>
    %add3A_16 = arith.addf %sqrt3A_13, %add3A_15 : vector<512x1xf32>
    %div3A_17 = vector.broadcast %add3A_16 : vector<512x1xf32> to vector<512x64xf32>
    %div3A_18 = arith.divf %get3A_4, %div3A_17 : vector<512x64xf32>
    %dot_general3A = arith.constant dense<0.000000e+00> : vector<1024x512xf32>
    %dot_general3A_19 = tpu.matmul %div3A_8, %div3A_18, %dot_general3A {dimension_numbers = #tpu.dot_dimension_numbers<[1], [1], [0], [0], [0, 0, 1, 0], [], []>, transpose_lhs_hint = false} : vector<1024x64xf32>, vector<512x64xf32>, vector<1024x512xf32> -> vector<1024x512xf32>
    %mul3A_20 = arith.constant 1.000000e+01 : f32
    %mul3A_21 = vector.broadcast %mul3A_20 : f32 to vector<1024x512xf32>
    %mul3A_22 = arith.mulf %dot_general3A_19, %mul3A_21 : vector<1024x512xf32>
    %swap3A = arith.constant 0 : index
    %swap3A_23 = arith.constant 0 : index
    %swap3A_24 = vector.load %arg3[%swap3A, %swap3A_23] : memref<1024x512xf32, #tpu.memory_space<vmem>>, vector<1024x512xf32>
    tpu.vector_store %arg3[%swap3A, %swap3A_23], %mul3A_22 {strides = array<i32>} : memref<1024x512xf32, #tpu.memory_space<vmem>>, vector<1024x512xf32>,
    %reduce_max3A = arith.constant dense<0xFF800000> : vector<1024xf32>
    %reduce_max3A_25 = vector.multi_reduction <maximumf>, %mul3A_22, %reduce_max3A [1] : vector<1024x512xf32> to vector<1024xf32>
    %broadcast_in_dim3A_26 = vector.shape_cast %reduce_max3A_25 : vector<1024xf32> to vector<1024x1xf32>
    %ge3A = vector.broadcast %broadcast_in_dim3A_26 : vector<1024x1xf32> to vector<1024x512xf32>
    %ge3A_27 = arith.cmpf oge, %mul3A_22, %ge3A : vector<1024x512xf32>
    %jit3A = arith.constant 0xFF800000 : f32
    %broadcast_in_dim3A_28 = vector.broadcast %jit3A : f32 to vector<1024x512xf32>
    %select_n3A = arith.select %ge3A_27, %broadcast_in_dim3A_28, %mul3A_22 : vector<1024x512xi1>, vector<1024x512xf32>
    %reduce_max3A_29 = arith.constant dense<0xFF800000> : vector<1024xf32>
    %reduce_max3A_30 = vector.multi_reduction <maximumf>, %select_n3A, %reduce_max3A_29 [1] : vector<1024x512xf32> to vector<1024xf32>
    %broadcast_in_dim3A_31 = vector.shape_cast %reduce_max3A_30 : vector<1024xf32> to vector<1024x1xf32>
    %ge3A_32 = vector.broadcast %broadcast_in_dim3A_31 : vector<1024x1xf32> to vector<1024x512xf32>
    %ge3A_33 = arith.cmpf oge, %select_n3A, %ge3A_32 : vector<1024x512xf32>
    %jit3A_34 = arith.constant 0xFF800000 : f32
    %broadcast_in_dim3A_35 = vector.broadcast %jit3A_34 : f32 to vector<1024x512xf32>
    %select_n3A_36 = arith.select %ge3A_33, %broadcast_in_dim3A_35, %select_n3A : vector<1024x512xi1>, vector<1024x512xf32>
    %reduce_max3A_37 = arith.constant dense<0xFF800000> : vector<1024xf32>
    %reduce_max3A_38 = vector.multi_reduction <maximumf>, %select_n3A_36, %reduce_max3A_37 [1] : vector<1024x512xf32> to vector<1024xf32>
    %broadcast_in_dim3A_39 = vector.shape_cast %reduce_max3A_38 : vector<1024xf32> to vector<1024x1xf32>
    %ge3A_40 = vector.broadcast %broadcast_in_dim3A_39 : vector<1024x1xf32> to vector<1024x512xf32>
    %ge3A_41 = arith.cmpf oge, %select_n3A_36, %ge3A_40 : vector<1024x512xf32>
    %jit3A_42 = arith.constant 0xFF800000 : f32
    %broadcast_in_dim3A_43 = vector.broadcast %jit3A_42 : f32 to vector<1024x512xf32>
    %select_n3A_44 = arith.select %ge3A_41, %broadcast_in_dim3A_43, %select_n3A_36 : vector<1024x512xi1>, vector<1024x512xf32>
    %reduce_max3A_45 = arith.constant dense<0xFF800000> : vector<1024xf32>
    %reduce_max3A_46 = vector.multi_reduction <maximumf>, %select_n3A_44, %reduce_max3A_45 [1] : vector<1024x512xf32> to vector<1024xf32>
    %broadcast_in_dim3A_47 = vector.shape_cast %reduce_max3A_46 : vector<1024xf32> to vector<1024x1xf32>
    %ge3A_48 = vector.broadcast %broadcast_in_dim3A_47 : vector<1024x1xf32> to vector<1024x512xf32>
    %ge3A_49 = arith.cmpf oge, %select_n3A_44, %ge3A_48 : vector<1024x512xf32>
    %jit3A_50 = arith.constant 0xFF800000 : f32
    %broadcast_in_dim3A_51 = vector.broadcast %jit3A_50 : f32 to vector<1024x512xf32>
    %select_n3A_52 = arith.select %ge3A_49, %broadcast_in_dim3A_51, %select_n3A_44 : vector<1024x512xi1>, vector<1024x512xf32>
    %reduce_max3A_53 = arith.constant dense<0xFF800000> : vector<1024xf32>
    %reduce_max3A_54 = vector.multi_reduction <maximumf>, %select_n3A_52, %reduce_max3A_53 [1] : vector<1024x512xf32> to vector<1024xf32>
    %broadcast_in_dim3A_55 = vector.shape_cast %reduce_max3A_54 : vector<1024xf32> to vector<1024x1xf32>
    %ge3A_56 = vector.broadcast %broadcast_in_dim3A_55 : vector<1024x1xf32> to vector<1024x512xf32>
    %ge3A_57 = arith.cmpf oge, %select_n3A_52, %ge3A_56 : vector<1024x512xf32>
    %jit3A_58 = arith.constant 0xFF800000 : f32
    %broadcast_in_dim3A_59 = vector.broadcast %jit3A_58 : f32 to vector<1024x512xf32>
    %select_n3A_60 = arith.select %ge3A_57, %broadcast_in_dim3A_59, %select_n3A_52 : vector<1024x512xi1>, vector<1024x512xf32>
    %reduce_max3A_61 = arith.constant dense<0xFF800000> : vector<1024xf32>
    %reduce_max3A_62 = vector.multi_reduction <maximumf>, %select_n3A_60, %reduce_max3A_61 [1] : vector<1024x512xf32> to vector<1024xf32>
    %broadcast_in_dim3A_63 = vector.shape_cast %reduce_max3A_62 : vector<1024xf32> to vector<1024x1xf32>
    %ge3A_64 = vector.broadcast %broadcast_in_dim3A_63 : vector<1024x1xf32> to vector<1024x512xf32>
    %ge3A_65 = arith.cmpf oge, %select_n3A_60, %ge3A_64 : vector<1024x512xf32>
    %jit3A_66 = arith.constant 0xFF800000 : f32
    %broadcast_in_dim3A_67 = vector.broadcast %jit3A_66 : f32 to vector<1024x512xf32>
    %select_n3A_68 = arith.select %ge3A_65, %broadcast_in_dim3A_67, %select_n3A_60 : vector<1024x512xi1>, vector<1024x512xf32>
    %reduce_max3A_69 = arith.constant dense<0xFF800000> : vector<1024xf32>
    %reduce_max3A_70 = vector.multi_reduction <maximumf>, %select_n3A_68, %reduce_max3A_69 [1] : vector<1024x512xf32> to vector<1024xf32>
    %broadcast_in_dim3A_71 = vector.shape_cast %reduce_max3A_70 : vector<1024xf32> to vector<1024x1xf32>
    %ge3A_72 = vector.broadcast %broadcast_in_dim3A_71 : vector<1024x1xf32> to vector<1024x512xf32>
    %ge3A_73 = arith.cmpf oge, %select_n3A_68, %ge3A_72 : vector<1024x512xf32>
    %jit3A_74 = arith.constant 0xFF800000 : f32
    %broadcast_in_dim3A_75 = vector.broadcast %jit3A_74 : f32 to vector<1024x512xf32>
    %select_n3A_76 = arith.select %ge3A_73, %broadcast_in_dim3A_75, %select_n3A_68 : vector<1024x512xi1>, vector<1024x512xf32>
    %reduce_max3A_77 = arith.constant dense<0xFF800000> : vector<1024xf32>
    %reduce_max3A_78 = vector.multi_reduction <maximumf>, %select_n3A_76, %reduce_max3A_77 [1] : vector<1024x512xf32> to vector<1024xf32>
    %broadcast_in_dim3A_79 = vector.shape_cast %reduce_max3A_78 : vector<1024xf32> to vector<1024x1xf32>
    %ge3A_80 = vector.broadcast %broadcast_in_dim3A_79 : vector<1024x1xf32> to vector<1024x512xf32>
    %ge3A_81 = arith.cmpf oge, %mul3A_22, %ge3A_80 : vector<1024x512xf32>
    %sub3A = vector.broadcast %broadcast_in_dim3A_26 : vector<1024x1xf32> to vector<1024x512xf32>
    %sub3A_82 = arith.subf %mul3A_22, %sub3A : vector<1024x512xf32>
    %exp3A = math.exp %sub3A_82 : vector<1024x512xf32>
    %jit3A_83 = arith.constant 0.000000e+00 : f32
    %broadcast_in_dim3A_84 = vector.broadcast %jit3A_83 : f32 to vector<1024x512xf32>
    %select_n3A_85 = arith.select %ge3A_81, %exp3A, %broadcast_in_dim3A_84 : vector<1024x512xi1>, vector<1024x512xf32>
    %reduce_sum3A_86 = arith.constant dense<0.000000e+00> : vector<1024xf32>
    %reduce_sum3A_87 = vector.multi_reduction <add>, %select_n3A_85, %reduce_sum3A_86 [1] : vector<1024x512xf32> to vector<1024xf32>
    %broadcast_in_dim3A_88 = vector.shape_cast %reduce_sum3A_87 : vector<1024xf32> to vector<1024x1xf32>
    %dot_general3A_89 = arith.constant dense<0.000000e+00> : vector<1024x64xf32>
    %dot_general3A_90 = tpu.matmul %select_n3A_85, %get3A_4, %dot_general3A_89 {dimension_numbers = #tpu.dot_dimension_numbers<[1], [0], [0], [1], [0, 0, 1, 1], [], []>, transpose_lhs_hint = false} : vector<1024x512xf32>, vector<512x64xf32>, vector<1024x64xf32> -> vector<1024x64xf32>
    %div3A_91 = vector.broadcast %broadcast_in_dim3A_88 : vector<1024x1xf32> to vector<1024x64xf32>
    %div3A_92 = arith.divf %dot_general3A_90, %div3A_91 : vector<1024x64xf32>
    %swap3A_93 = arith.constant 0 : index
    %swap3A_94 = arith.constant 0 : index
    %swap3A_95 = vector.load %arg4[%swap3A_93, %swap3A_94] : memref<1024x64xf32, #tpu.memory_space<vmem>>, vector<1024x64xf32>
    tpu.vector_store %arg4[%swap3A_93, %swap3A_94], %div3A_92 {strides = array<i32>} : memref<1024x64xf32, #tpu.memory_space<vmem>>, vector<1024x64xf32>,
    return
  }
  func.func @transform_0(%arg0: i32) -> (i32, i32) {
    %c0_i32 = arith.constant 0 : i32
    %c0_i32_0 = arith.constant 0 : i32
    return %arg0, %c0_i32 : i32, i32
  }
  func.func @transform_1(%arg0: i32) -> (i32, i32) {
    %c0_i32 = arith.constant 0 : i32
    %c0_i32_0 = arith.constant 0 : i32
    %c0_i32_1 = arith.constant 0 : i32
    return %c0_i32, %c0_i32_0 : i32, i32
  }
  func.func @transform_2(%arg0: i32) -> (i32, i32) {
    %c0_i32 = arith.constant 0 : i32
    %c0_i32_0 = arith.constant 0 : i32
    return %arg0, %c0_i32 : i32, i32
  }
  func.func @transform_3(%arg0: i32) -> (i32, i32) {
    %c0_i32 = arith.constant 0 : i32
    %c0_i32_0 = arith.constant 0 : i32
    return %arg0, %c0_i32 : i32, i32
  }
}

</mosaic_0001>

<sc_bundles>
// kernel: sparse-core-data-format-call.1.cloned.1.call-start
scs
called_computation.1_lowered:
.L_overlay_start_0:
0x0: {  	s2 =	sld [smem:$0x3FD9]  }
0x1: {  	s3 =	sld [smem:$0x3FFE];
	_ =	sdelay $0x1  }
0x2: {  	s1 =	srdreg.scid  }
0x3: {  	s0 =	sand.u32 $0x1, s1  }
0x4: {  	s15 =	sshll.u32 s0, $0xA;
	s2 =	sadd.s32 s3, s2  }
0x5: {  	s2 =	sadd.s32 s2, s15  }
0x6: {  	[smem:$0x3FC6] =	sst s2  }
0x7: {  	_ = 	snop  }
0x8: {  	s2 =	sld [smem:$0x3FD0];
	_ =	sdelay $0x2  }
0x9: {  	s16 =	simm.s32 $0xB;
	s4 =	simm.s32 $0x10  }
0xa: {  	[smem:s4], [sflag:s16] =	dma.local [hbm:s2], $0x1  }
0xb: {  	_ =	swait.eq [sflag:s16], $0x1  }
0xc: {  	[sflag:s16] =	ssyncset.done $0x0  }
0xd: {  	[sflag:s16] =	ssyncadd.s32 $0xFFFFFFFF  }
0xe: {  	s17 =	sld [smem:$0x10];
	(tm) =	ssettm $0x1  }
0xf: {  	s18 =	sld [smem:$0x3FFB];
	_ =	sdelay $0x3  }
0x10: {  	_ =	strace s18  }
0x11: {  	s3 =	sld [smem:$0x3FFC];
	_ =	sdelay $0x3  }
0x12: {  	_ =	strace s3  }
0x13: {  	s3 =	sld [smem:$0x3FFD];
	_ =	sdelay $0x3  }
0x14: {  	_ =	strace s3  }
0x15: {  	_ =	strace $0x8FFFFFFF  }
0x16: {  	s19 =	sld [smem:$0x3FDB];
	_ =	sdelay $0x1  }
0x17: {  	s20 =	simm.s32 $_scs_section_size  }
0x18: {  	s5 =	simm.s32 $_size__tile_overlayer_lowered;
	s6 =	simm.s32 $_tile_overlayer_lowered  }
0x19: {  	s23 =	simm.s32 $0x1BFF;
	s22 =	sshll.u32 s6, $0x1;
	s3 =	sadd.s32 s20, s19  }
0x1a: {  	s7 =	simm.s32 $0x0;
	s21 =	sshll.u32 s5, $0x1;
	s5 =	sadd.s32 s22, s3  }
0x1b: {  	[timem:s7], [sflag:s23] =	dma.local [hbm:s5], s21  }
0x1c: {  	_ =	swait.ge [sflag:s23], s21  }
0x1d: {  	s4 =	ssub.s32 $0x0, s21;
	[sflag:s23] =	ssyncset.done $0x0  }
0x1e: {  	[sflag:s23] =	ssyncadd.s32 s4;
	_ =	sdelay $0x1  }
0x1f: {  	s24 =	simm.s32 $0x1B8B  }
0x20: {  	_ =	swait.ge [sflag:s24], $0x1  }
0x21: {  	[sflag:s24] =	ssyncset.done $0x0  }
0x22: {  	s26 =	simm.s32 $0x1B8E;
	s25 =	sld [smem:$0x3FFE];
	[sflag:s24] =	ssyncadd.s32 $0xFFFFFFFF  }
0x23: {  	s27 =	simm.s32 $execute0_lowered;
	[smem:$0x3FD2] =	sst s26  }
0x24: {  	s5 =	sshll.u32 s27, $0x1;
	_ =	strace $0x80000049;
	[dreg:$0x1] =	wrdreg $0xFFFFFFFF  }
0x25: {  	s28 =	simm.s32 $_size_execute0_lowered;
	s3 =	sadd.s32 s3, s5;
	[dreg:$0x0] =	wrdreg $0x0  }
0x26: {  	s5 =	sshll.u32 s28, $0x1;
	[dreg:$0x2] =	wrdreg s3  }
0x27: {  	[dreg:$0x3] =	wrdreg s5  }
0x28: {  	[dreg:$0x4] =	wrdreg $0xC0  }
0x29: {  	_ =	task [dreg:s7], $0x5FFFF  }
0x2a: {  	[dreg:$0x1] =	wrdreg $0xFFFFFFFF  }
0x2b: {  	[dreg:$0x0] =	wrdreg $0x60  }
0x2c: {  	[dreg:$0x2] =	wrdreg s25  }
0x2d: {  	[dreg:$0x3] =	wrdreg s17  }
0x2e: {  	[dreg:$0x4] =	wrdreg $0xA  }
0x2f: {  	_ =	task.clear_ibuf [dreg:s7], $0x5FFFF;
	_ =	strace $0x90000049  }
0x30: {  	s29 =	simm.s32 $0xA;
	_ =	strace $0x8000004B  }
0x31: {  	_ =	swait.ge [sflag:s29], $0x1  }
0x32: {  	[sflag:s29] =	ssyncadd.s32 $0xFFFFFFFF  }
0x33: {  	_ =	strace $0x9000004B  }
0x34: {  	_ =	sfence  }
0x35: {  	s30 =	sld [smem:$0x0];
	_ =	sdelay $0x2  }
0x36: {  	s31 =	sshll.u32 s1, $0xD;
	s1 =	sshrl.u32 s1, $0x2  }
0x37: {  	s3 =	sand.u32 $0x4000, s31;
	s1 =	sadd.s32 s1, s30  }
0x38: {  	s0 =	sor.u32 s3, s0;
	s1 =	sshll.u32 s1, $0x11  }
0x39: {  	s0 =	sor.u32 s1, s0  }
0x3a: {  	s0 =	sadd.s32 $0x8F2B, s0  }
0x3b: {  	[sflag:s0] =	ssyncadd.remote.s32 $0x1  }
0x3c: {  	_ =	sfence.sel $0xFFFF  }
0x3d: {  	[dreg:$0x0] =	wrdreg $0xFFFFFFFF;
	(pc) =	sbr.abs _section_cstart, $3  }
0x3e: {  	[dreg:$0x1] =	wrdreg $0xFFFFFFFF  }
0x3f: {  	_ =	task.clear_ibuf [dreg:s7], $0x2FFFF;
	_ =	strace $0x9FFFFFFF  }
0x40: {  	(tm) =	ssettm $0x7FFFFFFF  }
0x41: {  	_ =	shalt  }
tec
execute0_lowered:
.L_overlay_start_1:
0x0: {  	(tag) =	ssettag $0x1  }
0x1: {  	s0 =	srdreg.scid  }
0x2: {  	s1 =	sshll.u32 s0, $0x4  }
0x3: {  	s0 =	stileid.u32;
	s1 =	sand.u32 $0x10, s1  }
0x4: {  	s1 =	sor.u32 s0, s1  }
0x5: {  	s6 =	rddreg [dreg:$0x0];
	s4 =	simm.s32 $0x1;
	s2 =	sshll.u32 s1, $0x7  }
0x6: {  	s7 =	simm.s32 $0x2;
	s12 =	simm.s32 $0x0;
	s1 =	ssub.s32 $0x1000, s2  }
0x7: {  	s8 =	simm.s32 $0x8000;
	s13 =	simm.s32 $0x0;
	s3 =	sand.u32 $0xF80, s1  }
0x8: {  	s9 =	simm.s32 $0x0;
	s5 =	sshrl.u32 s1, $0xC;
	p0 =	sne.s32 s3, $0x0  }
.Ltmp0:
0x9: {  	s1 =	rddreg [dreg:$0x2];
	s4 =	simm.s32 @!p0 $0x0;
	(pc) =	sbr.rel .LBB1_1-.Ltmp0, $4  }
0xa: {  	s11 =	simm.s32 $0x0;
	s3 =	rddreg [dreg:$0x1];
	s5 =	sadd.s32 s4, s5  }
0xb: {  	_ =	strace $0x8000004A;
	s4 =	simm.s32 $0x1;
	s5 =	smul.u32 $0x32, s5  }
0xc: {  	s6 =	sadd.s32 $0x641000, s6;
	s10 =	smov.u32 s2;
	[sflag:s4] =	ssyncpa.u1 $0x0  }
0xd: {  	p0 =	por $0x0, $0x0;
	[sflag:s7] =	ssyncpa.u1 $0x0;
	s7 =	sor.u32 $0x1, s5  }
.LBB1_4:
0xe: {  	s16 =	sshll.u32 s13, $0x3;
	s17 =	sand.u32 $0x78, s13  }
0xf: {  	s30 =	sand.u32 $0x7E00, s13;
	s12 =	sshll.u32 s12, $0xF;
	s16 =	sand.u32 $0xC00, s16  }
0x10: {  	[tilespmem:s15+$0x810 ss:$0x81] =	vst.msk $0xffff, v2;
	s31 =	sand.u32 $0x7, s13;
	s16 =	sor.u32 s17, s16;
	s17 =	sadd.s32 s3, s30  }
0x11: {  	[tilespmem:s15+$0x1020 ss:$0x81] =	vst.msk $0xffff, v0;
	s13 =	sshll.u32 s31, $0x12;
	s12 =	sadd.s32 s12, s17;
	s16 =	sshrl.u32 s16, $0x3  }
0x12: {  	[tilespmem:s15+$0x0 ss:$0x81] =	vst.msk $0xffff, v1;
	s13 =	sor.u32 $0x400, s13;
	s12 =	sadd.s32 s16, s12  }
0x13: {  	[hbm4b:s12+s13] =	stream.strided.scatter [tilespmem:s14], [sflag:$0x2], $0x2000, s8, s13, $0x20;
	[tilespmem:$0x8080] =	vst v63  }
.LBB1_5:
0x14: {  	s14 =	sadd.s32 $0x1, s9  }
0x15: {  	s12 =	sadd.s32 $0x1000, s10;
	s16 =	smov.u32 s10;
	p2 =	sgt.s32 s14, $0x31  }
0x16: {  	s16 =	smov.u32 @p2 s12  }
0x17: {  	s14 =	simm.s32 @p2 $0x0;
	p2 =	sgt.s32 s16, $0xFFF  }
0x18: {  	s16 =	smov.u32 @p2 s2;
	p2 =	sne.s32 s11, s7  }
.Ltmp1:
0x19: {  	p1 =	slt.u32 s11, $0x2;
	(pc) =	sbr.rel @!p2 .LBB1_6-.Ltmp1, $4  }
0x1a: {  	s15 =	simm.s32 @!p1 $0x2  }
0x1b: {  	s13 =	smov.u32 s10;
	p0 =	por !p0, !p0;
	_ =	swait.ge @!p1 [sflag:s15], $0x2000  }
0x1c: {  	s12 =	smov.u32 s9;
	[sflag:s15] =	ssyncset.done @!p1 $0x0;
	s9 =	smov.u32 s14  }
0x1d: {  	s11 =	sadd.s32 $0x1, s11;
	[sflag:s15] =	ssyncadd.s32 @!p1 $0xFFFFE000;
	s10 =	smov.u32 s16  }
.LBB1_1:
0x1e: {  	p1 =	sge.u32 s11, s5  }
0x1f: {  	s14 =	sand.u32 @!p1 $0x1FFFFFF, s9  }
0x20: {  	s15 =	smulhi.u32 @!p1 $0x4924925, s14;
	_ =	sdelay $0x1  }
0x21: {  	s15 =	smul.u32 @!p1 $0x38, s15  }
0x22: {  	s16 =	sxor.u32 @!p1 $0xFFFFFFFF, s11;
	s17 =	smul.u32 @!p1 $0x380, s10  }
0x23: {  	s31 =	sadd.s32 $0xFFFFFFFF, s11;
	s16 =	sshll.u32 @!p1 s16, $0xD;
	s14 =	ssub.s32 @!p1 s14, s15  }
0x24: {  	s15 =	sand.u32 @!p1 $0x2000, s16;
	s16 =	sadd.s32 @!p1 s6, s17;
	s14 =	sshll.u32 @!p1 s14, $0x4  }
0x25: {  	s17 =	simm.s32 @!p1 $0x1C00;
	s14 =	sadd.s32 @!p1 s14, s16;
	s16 =	simm.s32 @!p1 $0x40  }
0x26: {  	[tilespmem:s15], [sflag:$0x1] =	stream.strided.gather @!p1 [hbm4b:s14+s16], $0x2000, s17, s16, $0x38;
	[tilespmem:$0x8080] =	vst v63  }
0x27: {  	p1 =	sge.u32 s31, s5  }
.Ltmp2:
0x28: {  	_ = 	snop;
	(pc) =	sbr.rel @p1 .LBB1_5-.Ltmp2, $1  }
0x29: {  	_ =	sdelay $0x3  }
0x2a: {  	s14 =	simm.s32 $0x1  }
0x2b: {  	_ =	swait.ge [sflag:s4], $0x2000;
	s14 =	simm.s32 @!p0 $0x0  }
0x2c: {  	[sflag:s4] =	ssyncset.done $0x0;
	s15 =	sshll.u32 s14, $0xD  }
0x2d: {  	[sflag:s4] =	ssyncadd.s32 $0xFFFFE000;
	s18 =	sor.u32 $0x20, s15  }
0x2e: {  	s14 =	smul.u32 $0x8100, s14;
	v3 =	vld [tilespmem:s18+$0x10]  }
0x2f: {  	s30 =	sand.u32 $0x1, s11;
	v2 =	vld [tilespmem:s18+$0xFFFFFFF0]  }
0x30: {  	s15 =	smul.u32 $0x8100, s30;
	s14 =	sshrl.u32 s14, $0x2;
	v0 =	vld [tilespmem:s18+$0x0]  }
0x31: {  	v1 =	vld [tilespmem:s18+$0xFFFFFFE0];
	s16 =	sor.u32 $0x4000, s14  }
0x32: {  	s31 =	sshrl.u32 s15, $0x2;
	s15 =	sadd.s32 $0x0, s16  }
0x33: {  	s17 =	simm.s32 $0x4;
	s18 =	sadd.s32 $0x40, s18;
	s14 =	sor.u32 $0x4000, s31;
	[tilespmem:s15+$0x1830 ss:$0x81] =	vst.msk $0xffff, v3  }
.LBB1_3:
0x34: {  	v3 =	vld [tilespmem:s18+$0x10];
	p1 =	sne.s32 s17, $0x1FC;
	[tilespmem:s15+$0x810 ss:$0x81] =	vst.msk $0xffff, v2;
	s19 =	smov.u32 s17;
	s17 =	sadd.s32 $0x4, s17  }
.Ltmp3:
0x35: {  	v2 =	vld [tilespmem:s18+$0xFFFFFFF0];
	[tilespmem:s15+$0x1020 ss:$0x81] =	vst.msk $0xffff, v0;
	(pc) =	sbr.rel @p1 .LBB1_3-.Ltmp3, $4  }
0x36: {  	v0 =	vld [tilespmem:s18+$0x0];
	[tilespmem:s15+$0x0 ss:$0x81] =	vst.msk $0xffff, v1  }
0x37: {  	s15 =	sshra.s32 s19, $0x2;
	v1 =	vld [tilespmem:s18+$0xFFFFFFE0]  }
0x38: {  	s15 =	sadd.s32 s15, s16  }
0x39: {  	s18 =	sadd.s32 $0x40, s18;
	[tilespmem:s15+$0x1830 ss:$0x81] =	vst.msk $0xffff, v3  }
.Ltmp4:
0x3a: {  	_ = 	snop;
	(pc) =	sbr.rel .LBB1_4-.Ltmp4, $1  }
0x3b: {  	_ =	sdelay $0x3  }
.LBB1_6:
0x3c: {  	_ =	sfence.sel $0x180000  }
0x3d: {  	s2 =	simm.s32 $0x1;
	[bflag:$0x0] =	sbarrier.arrive $0xFFFF  }
0x3e: {  	s31 =	simm.s32 $0x2;
	[sflag:s2] =	ssyncpa.u1 $0x1  }
0x3f: {  	[sflag:s31] =	ssyncpa.u1 $0x1  }
0x40: {  	p0 =	sne.s32 s0, $0x0;
	_ =	strace $0x9000004A  }
0x41: {  	s0 =	sadd.s32 @!p0 $0x100000, s1;
	[bflag:$0x2] =	sbarrier.arrive $0xFFFF  }
0x42: {  	[sflag:s0] =	ssyncadd.tile.s32 @!p0 $0x1;
	_ =	shalt  }
.Lfunc_end1:
_tile_overlayer_lowered:
.L_overlay_start_2:
0x43: {  	(tag) =	ssettag $0x2  }
0x44: {  	s0 =	rddreg [dreg:$0x0];
	s2 =	stileid.u32  }
0x45: {  	s1 =	rddreg [dreg:$0x1];
	p0 =	sne.s32 s2, $0x0  }
0x46: {  	s3 =	rddreg [dreg:$0x2];
	[bflag:$0x3] =	sbarrier.arrive $0xFFFF;
	s2 =	simm.s32 @!p0 $0x1C01  }
0x47: {  	[timem:s3], [sflag:s2] =	dma.local @!p0 [hbm:s0], s1  }
0x48: {  	s0 =	simm.s32 @!p0 $0x1  }
0x49: {  	_ =	swait.ge @!p0 [sflag:s0], s1  }
0x4a: {  	s1 =	ssub.s32 @!p0 $0x0, s1;
	[sflag:s0] =	ssyncset.done @!p0 $0x0  }
0x4b: {  	[sflag:s0] =	ssyncadd.s32 @!p0 s1  }
0x4c: {  	[bflag:$0x3] =	sbarrier.arrive $0xFFFF  }
0x4d: {  	_ =	shalt  }

// kernel: sparse-core-data-format-call.2.cloned.1.call-start
scs
called_computation.2_lowered:
.L_overlay_start_0:
0x0: {  	s2 =	sld [smem:$0x3FD9]  }
0x1: {  	s3 =	sld [smem:$0x3FFE];
	_ =	sdelay $0x1  }
0x2: {  	s1 =	srdreg.scid  }
0x3: {  	s0 =	sand.u32 $0x1, s1  }
0x4: {  	s16 =	sshll.u32 s0, $0xA;
	s2 =	sadd.s32 s3, s2  }
0x5: {  	s2 =	sadd.s32 s2, s16  }
0x6: {  	[smem:$0x3FC6] =	sst s2  }
0x7: {  	_ = 	snop  }
0x8: {  	s2 =	sld [smem:$0x3FD0];
	_ =	sdelay $0x2  }
0x9: {  	s4 =	simm.s32 $0xB;
	s5 =	simm.s32 $0x10;
	s17 =	sld [smem:$0x3FC9]  }
0xa: {  	[smem:s5], [sflag:s4] =	dma.local [hbm:s2], $0x1  }
0xb: {  	_ =	swait.eq [sflag:s4], $0x1  }
0xc: {  	[sflag:s4] =	ssyncset.done $0x0  }
0xd: {  	[sflag:s4] =	ssyncadd.s32 $0xFFFFFFFF  }
0xe: {  	s18 =	sld [smem:$0x11];
	(tm) =	ssettm $0x1  }
0xf: {  	s19 =	sld [smem:$0x3FFB];
	_ =	sdelay $0x3  }
0x10: {  	_ =	strace s19  }
0x11: {  	s4 =	sld [smem:$0x3FFC];
	_ =	sdelay $0x3  }
0x12: {  	_ =	strace s4  }
0x13: {  	s4 =	sld [smem:$0x3FFD];
	_ =	sdelay $0x3  }
0x14: {  	_ =	strace s4  }
0x15: {  	_ =	strace $0x8FFFFFFF  }
0x16: {  	s20 =	sld [smem:$0x3FDB];
	_ =	sdelay $0x1  }
0x17: {  	s21 =	simm.s32 $_scs_section_size  }
0x18: {  	s6 =	simm.s32 $_size__tile_overlayer_lowered;
	s7 =	simm.s32 $_tile_overlayer_lowered  }
0x19: {  	s24 =	simm.s32 $0x1BFF;
	s23 =	sshll.u32 s7, $0x1;
	s4 =	sadd.s32 s21, s20  }
0x1a: {  	s8 =	simm.s32 $0x0;
	s22 =	sshll.u32 s6, $0x1;
	s6 =	sadd.s32 s23, s4  }
0x1b: {  	[timem:s8], [sflag:s24] =	dma.local [hbm:s6], s22  }
0x1c: {  	_ =	swait.ge [sflag:s24], s22  }
0x1d: {  	s5 =	ssub.s32 $0x0, s22;
	[sflag:s24] =	ssyncset.done $0x0  }
0x1e: {  	[sflag:s24] =	ssyncadd.s32 s5;
	_ =	sdelay $0x1  }
0x1f: {  	s25 =	simm.s32 $0x1B8B  }
0x20: {  	_ =	swait.ge [sflag:s25], $0x1  }
0x21: {  	[sflag:s25] =	ssyncset.done $0x0  }
0x22: {  	s26 =	simm.s32 $0x1B8E;
	[sflag:s25] =	ssyncadd.s32 $0xFFFFFFFF  }
0x23: {  	s27 =	simm.s32 $execute0_lowered;
	[smem:$0x3FD2] =	sst s26  }
0x24: {  	s5 =	sshll.u32 s27, $0x1;
	_ =	strace $0x80000046;
	[dreg:$0x1] =	wrdreg $0xFFFFFFFF  }
0x25: {  	s28 =	simm.s32 $_size_execute0_lowered;
	s4 =	sadd.s32 s4, s5;
	[dreg:$0x0] =	wrdreg $0x0  }
0x26: {  	s5 =	sshll.u32 s28, $0x1;
	[dreg:$0x2] =	wrdreg s4  }
0x27: {  	[dreg:$0x3] =	wrdreg s5  }
0x28: {  	[dreg:$0x4] =	wrdreg $0xC0  }
0x29: {  	_ =	task [dreg:s8], $0x5FFFF  }
0x2a: {  	[dreg:$0x1] =	wrdreg $0xFFFFFFFF  }
0x2b: {  	[dreg:$0x0] =	wrdreg $0x60  }
0x2c: {  	[dreg:$0x2] =	wrdreg s17  }
0x2d: {  	[dreg:$0x3] =	wrdreg s18  }
0x2e: {  	[dreg:$0x4] =	wrdreg $0x9  }
0x2f: {  	_ =	task.clear_ibuf [dreg:s8], $0x5FFFF;
	_ =	strace $0x90000046  }
0x30: {  	s29 =	simm.s32 $0x9;
	_ =	strace $0x80000048  }
0x31: {  	_ =	swait.ge [sflag:s29], $0x1  }
0x32: {  	[sflag:s29] =	ssyncadd.s32 $0xFFFFFFFF  }
0x33: {  	_ =	strace $0x90000048  }
0x34: {  	_ =	sfence  }
0x35: {  	s30 =	sld [smem:$0x0];
	_ =	sdelay $0x2  }
0x36: {  	s31 =	sshll.u32 s1, $0xD;
	s1 =	sshrl.u32 s1, $0x2  }
0x37: {  	s3 =	sand.u32 $0x4000, s31;
	s1 =	sadd.s32 s1, s30  }
0x38: {  	s0 =	sor.u32 s3, s0;
	s1 =	sshll.u32 s1, $0x11  }
0x39: {  	s0 =	sor.u32 s1, s0  }
0x3a: {  	s0 =	sadd.s32 $0x8F2B, s0  }
0x3b: {  	[sflag:s0] =	ssyncadd.remote.s32 $0x1  }
0x3c: {  	_ =	sfence.sel $0xFFFF  }
0x3d: {  	[dreg:$0x0] =	wrdreg $0xFFFFFFFF;
	(pc) =	sbr.abs _section_cstart, $3  }
0x3e: {  	[dreg:$0x1] =	wrdreg $0xFFFFFFFF  }
0x3f: {  	_ =	task.clear_ibuf [dreg:s8], $0x2FFFF;
	_ =	strace $0x9FFFFFFF  }
0x40: {  	(tm) =	ssettm $0x7FFFFFFF  }
0x41: {  	_ =	shalt  }
tec
execute0_lowered:
.L_overlay_start_1:
0x0: {  	(tag) =	ssettag $0x1  }
0x1: {  	s0 =	stileid.u32;
	s7 =	rddreg [dreg:$0x0]  }
0x2: {  	s1 =	srdreg.scid;
	s4 =	rddreg [dreg:$0x1]  }
0x3: {  	s31 =	simm.s32 $0x2;
	s2 =	sshll.u32 s0, $0x7;
	s1 =	sshll.u32 s1, $0xB  }
0x4: {  	s13 =	simm.s32 $0x0;
	s1 =	sor.u32 s2, s1;
	s2 =	sand.u32 $0x1, s0  }
0x5: {  	s10 =	simm.s32 $0x1C00;
	s1 =	sand.u32 $0xF00, s1;
	s5 =	ssub.s32 $0x32, s2  }
0x6: {  	s14 =	simm.s32 $0x0;
	s3 =	ssub.s32 $0x1000, s1;
	s8 =	sshrl.u32 s5, $0x1  }
0x7: {  	s5 =	sand.u32 $0x1, s5;
	s6 =	sand.u32 $0xF00, s3;
	s9 =	sshrl.u32 s3, $0xC  }
0x8: {  	s3 =	rddreg [dreg:$0x2];
	p0 =	sne.s32 s6, $0x0;
	s6 =	simm.s32 $0x1  }
.Ltmp0:
0x9: {  	s8 =	sadd.s32 s5, s8;
	s6 =	simm.s32 @!p0 $0x0;
	(pc) =	sbr.rel .LBB1_1-.Ltmp0, $4  }
0xa: {  	_ =	strace $0x80000047;
	s5 =	simm.s32 $0x1;
	s6 =	sadd.s32 s6, s9  }
0xb: {  	s12 =	simm.s32 $0x0;
	[sflag:s5] =	ssyncpa.u1 $0x0;
	s6 =	smul.u32 s8, s6  }
0xc: {  	s11 =	smov.u32 s2;
	s7 =	sadd.s32 s7, s1;
	[sflag:s31] =	ssyncpa.u1 $0x0  }
0xd: {  	p0 =	por $0x0, $0x0;
	s9 =	simm.s32 $0x40;
	s8 =	sadd.s32 $0x1, s6  }
.LBB1_4:
0xe: {  	_ = 	snop  }
0xf: {  	[tilespmem:s19+$0x1860 ss:$0x41] =	vst.msk $0xffff, v8  }
0x10: {  	[tilespmem:s19+$0x1C70 ss:$0x41] =	vst.msk $0xffff, v7  }
0x11: {  	[tilespmem:s19+$0x2490 ss:$0x41] =	vst.msk $0xffff, v1  }
0x12: {  	s22 =	sor.u32 s25, s24;
	v47 =	vld.idx.msk [tilespmem:v0+s17+$0x470 ss:$0x1], $0xffff;
	[tilespmem:s19+$0x28A0 ss:$0x41] =	vst.msk $0xffff, v2  }
0x13: {  	[tilespmem:s19+$0x2CB0 ss:$0x41] =	vst.msk $0xffff, v3;
	v57 =	vld.idx.msk [tilespmem:v0+s22+$0x410 ss:$0x1], $0xffff  }
0x14: {  	[tilespmem:s19+$0x30C0 ss:$0x41] =	vst.msk $0xffff, v4;
	v58 =	vld.idx.msk [tilespmem:v0+s22+$0x420 ss:$0x1], $0xffff  }
0x15: {  	[tilespmem:s19+$0x34D0 ss:$0x41] =	vst.msk $0xffff, v5;
	v59 =	vld.idx.msk [tilespmem:v0+s22+$0x430 ss:$0x1], $0xffff  }
0x16: {  	s30 =	sshra.s32 s20, $0x2;
	[tilespmem:s19+$0x38E0 ss:$0x41] =	vst.msk $0xffff, v6;
	v60 =	vld.idx.msk [tilespmem:v0+s22+$0x440 ss:$0x1], $0xffff  }
0x17: {  	s23 =	sand.u32 $0x3B00, s22;
	s17 =	sadd.s32 s30, s18;
	v61 =	vld.idx.msk [tilespmem:v0+s22+$0x450 ss:$0x1], $0xffff;
	[tilespmem:s19+$0x3CF0 ss:$0x41] =	vst.msk $0xffff, v47  }
0x18: {  	s21 =	sand.u32 $0x80, s21;
	v62 =	vld.idx.msk [tilespmem:v0+s22+$0x460 ss:$0x1], $0xffff;
	s16 =	sadd.s32 s23, s16;
	[tilespmem:s17+$0x2490 ss:$0x41] =	vst.msk $0xffff, v57  }
0x19: {  	v63 =	vld.idx.msk [tilespmem:v0+s22+$0x470 ss:$0x1], $0xffff;
	s16 =	sadd.s32 s21, s16;
	[tilespmem:s17+$0x28A0 ss:$0x41] =	vst.msk $0xffff, v58  }
0x1a: {  	v48 =	vld [tilespmem:s16+$0x400];
	[tilespmem:s17+$0x2CB0 ss:$0x41] =	vst.msk $0xffff, v59  }
0x1b: {  	v49 =	vld [tilespmem:s16+$0x0];
	[tilespmem:s17+$0x30C0 ss:$0x41] =	vst.msk $0xffff, v60  }
0x1c: {  	v50 =	vld [tilespmem:s16+$0x10];
	[tilespmem:s17+$0x34D0 ss:$0x41] =	vst.msk $0xffff, v61  }
0x1d: {  	v51 =	vld [tilespmem:s16+$0x20];
	[tilespmem:s17+$0x38E0 ss:$0x41] =	vst.msk $0xffff, v62  }
0x1e: {  	v52 =	vld [tilespmem:s16+$0x30];
	[tilespmem:s17+$0x3CF0 ss:$0x41] =	vst.msk $0xffff, v63  }
0x1f: {  	v53 =	vld [tilespmem:s16+$0x40];
	[tilespmem:s17+$0x2080 ss:$0x41] =	vst.msk $0xffff, v48  }
0x20: {  	s14 =	sand.u32 $0x1FFFFFF, s14;
	v54 =	vld [tilespmem:s16+$0x50];
	[tilespmem:s17+$0x0 ss:$0x41] =	vst.msk $0xffff, v49  }
0x21: {  	s31 =	smulhi.u32 $0x4924925, s14;
	v55 =	vld [tilespmem:s16+$0x60];
	[tilespmem:s17+$0x410 ss:$0x41] =	vst.msk $0xffff, v50  }
0x22: {  	v56 =	vld [tilespmem:s16+$0x70];
	[tilespmem:s17+$0x820 ss:$0x41] =	vst.msk $0xffff, v51  }
0x23: {  	s16 =	smul.u32 $0x38, s31;
	[tilespmem:s17+$0xC30 ss:$0x41] =	vst.msk $0xffff, v52  }
0x24: {  	s13 =	smul.u32 $0x380, s13;
	[tilespmem:s17+$0x1040 ss:$0x41] =	vst.msk $0xffff, v53  }
0x25: {  	s14 =	ssub.s32 s14, s16;
	[tilespmem:s17+$0x1450 ss:$0x41] =	vst.msk $0xffff, v54  }
0x26: {  	s13 =	sadd.s32 s4, s13;
	s14 =	sshll.u32 s14, $0x4;
	[tilespmem:s17+$0x1860 ss:$0x41] =	vst.msk $0xffff, v55  }
0x27: {  	s13 =	sadd.s32 s14, s13;
	[tilespmem:s17+$0x1C70 ss:$0x41] =	vst.msk $0xffff, v56  }
0x28: {  	[hbm4b:s13+s9] =	stream.strided.scatter [tilespmem:s15], [sflag:$0x2], $0x4000, s10, s9, $0x18;
	[tilespmem:$0x10200] =	vst v63  }
.LBB1_5:
0x29: {  	s15 =	sadd.s32 $0x2, s11  }
0x2a: {  	p2 =	sgt.s32 s15, $0x31  }
0x2b: {  	s15 =	smov.u32 @p2 s2;
	p2 =	sne.s32 s12, s8  }
.Ltmp1:
0x2c: {  	p1 =	slt.u32 s12, $0x2;
	(pc) =	sbr.rel @!p2 .LBB1_6-.Ltmp1, $4  }
0x2d: {  	s13 =	simm.s32 @!p1 $0x2  }
0x2e: {  	s16 =	sadd.s32 $0x1, s12;
	s14 =	smov.u32 s11;
	_ =	swait.ge @!p1 [sflag:s13], $0x4000  }
0x2f: {  	p0 =	por !p0, !p0;
	s12 =	smov.u32 s16;
	[sflag:s13] =	ssyncset.done @!p1 $0x0  }
0x30: {  	s11 =	smov.u32 s15;
	[sflag:s13] =	ssyncadd.s32 @!p1 $0xFFFFC000;
	s13 =	smov.u32 s1  }
.LBB1_1:
0x31: {  	p1 =	sge.u32 s12, s6  }
0x32: {  	s31 =	sadd.s32 $0xFFFFFFFF, s12;
	s15 =	sxor.u32 @!p1 $0xFFFFFFFF, s12  }
0x33: {  	s16 =	sshll.u32 @!p1 s11, $0xF;
	s17 =	simm.s32 @!p1 $0x800;
	s15 =	sshll.u32 @!p1 s15, $0xE  }
0x34: {  	s18 =	simm.s32 @!p1 $0x8000;
	s16 =	sadd.s32 @!p1 s16, s7;
	s15 =	sand.u32 @!p1 $0x4000, s15  }
0x35: {  	[tilespmem:s15], [sflag:$0x1] =	stream.strided.gather @!p1 [hbm4b:s16+s17], $0x4000, s18, s17, $0x38;
	[tilespmem:$0x10200] =	vst v63  }
0x36: {  	p1 =	sge.u32 s31, s6  }
.Ltmp2:
0x37: {  	_ = 	snop;
	(pc) =	sbr.rel @p1 .LBB1_5-.Ltmp2, $1  }
0x38: {  	_ =	sdelay $0x3  }
0x39: {  	s18 =	simm.s32 $0x0  }
0x3a: {  	s17 =	sand.u32 $0x3800, s18;
	s19 =	sand.u32 $0x380, s18  }
0x3b: {  	s15 =	sand.u32 $0x1, s12;
	s17 =	sor.u32 s19, s17  }
0x3c: {  	_ =	swait.ge [sflag:s5], $0x4000;
	s16 =	sshll.u32 s15, $0xE;
	s19 =	sand.u32 $0x3B00, s17  }
0x3d: {  	[sflag:s5] =	ssyncset.done $0x0;
	s18 =	sand.u32 $0x80, s18;
	s19 =	sadd.s32 s19, s16  }
0x3e: {  	[sflag:s5] =	ssyncadd.s32 $0xFFFFC000;
	s21 =	sadd.s32 s18, s19  }
0x3f: {  	v4 =	vld [tilespmem:s21+$0x400]  }
0x40: {  	s20 =	simm.s32 $0x1;
	v5 =	vld [tilespmem:s21+$0x0]  }
0x41: {  	s20 =	simm.s32 @!p0 $0x0;
	v6 =	vld [tilespmem:s21+$0x10]  }
0x42: {  	v0 =	vmov s16;
	s31 =	smul.u32 $0x10400, s20;
	v7 =	vld [tilespmem:s21+$0x20]  }
0x43: {  	v9 =	vld [tilespmem:s21+$0x30]  }
0x44: {  	s18 =	sshrl.u32 s31, $0x2;
	v10 =	vld [tilespmem:s21+$0x40]  }
0x45: {  	s18 =	sor.u32 $0x8000, s18;
	v11 =	vld [tilespmem:s21+$0x50]  }
0x46: {  	v8 =	vld [tilespmem:s21+$0x60];
	s19 =	sadd.s32 $0x0, s18  }
0x47: {  	v1 =	vld.idx.msk [tilespmem:v0+s17+$0x410 ss:$0x1], $0xffff;
	[tilespmem:s19+$0x2080 ss:$0x41] =	vst.msk $0xffff, v4  }
0x48: {  	v2 =	vld.idx.msk [tilespmem:v0+s17+$0x420 ss:$0x1], $0xffff;
	[tilespmem:s19+$0x0 ss:$0x41] =	vst.msk $0xffff, v5  }
0x49: {  	v3 =	vld.idx.msk [tilespmem:v0+s17+$0x430 ss:$0x1], $0xffff;
	[tilespmem:s19+$0x410 ss:$0x41] =	vst.msk $0xffff, v6  }
0x4a: {  	s15 =	smul.u32 $0x10400, s15;
	[tilespmem:s19+$0x820 ss:$0x41] =	vst.msk $0xffff, v7;
	v7 =	vld [tilespmem:s21+$0x70]  }
0x4b: {  	s22 =	simm.s32 $0x100;
	s23 =	simm.s32 $0x8;
	[tilespmem:s19+$0xC30 ss:$0x41] =	vst.msk $0xffff, v9;
	v4 =	vld.idx.msk [tilespmem:v0+s17+$0x440 ss:$0x1], $0xffff  }
0x4c: {  	s24 =	sand.u32 $0x3800, s22;
	s15 =	sshrl.u32 s15, $0x2;
	[tilespmem:s19+$0x1040 ss:$0x41] =	vst.msk $0xffff, v10;
	v5 =	vld.idx.msk [tilespmem:v0+s17+$0x450 ss:$0x1], $0xffff;
	s21 =	simm.s32 $0x80  }
0x4d: {  	s20 =	simm.s32 $0x4;
	s15 =	sor.u32 $0x8000, s15;
	[tilespmem:s19+$0x1450 ss:$0x41] =	vst.msk $0xffff, v11;
	v6 =	vld.idx.msk [tilespmem:v0+s17+$0x460 ss:$0x1], $0xffff;
	s25 =	sand.u32 $0x380, s21  }
.LBB1_3:
0x4e: {  	p1 =	sne.s32 s23, $0xFC;
	[tilespmem:s19+$0x1860 ss:$0x41] =	vst.msk $0xffff, v8;
	v8 =	vld.idx.msk [tilespmem:v0+s17+$0x470 ss:$0x1], $0xffff;
	s17 =	sor.u32 s25, s24  }
0x4f: {  	s24 =	sand.u32 $0x3B00, s17;
	v9 =	vld.idx.msk [tilespmem:v0+s17+$0x410 ss:$0x1], $0xffff;
	[tilespmem:s19+$0x1C70 ss:$0x41] =	vst.msk $0xffff, v7  }
0x50: {  	s25 =	sand.u32 $0x80, s21;
	s24 =	sadd.s32 s24, s16;
	v7 =	vld.idx.msk [tilespmem:v0+s17+$0x420 ss:$0x1], $0xffff;
	[tilespmem:s19+$0x2490 ss:$0x41] =	vst.msk $0xffff, v1  }
0x51: {  	s24 =	sadd.s32 s25, s24;
	v10 =	vld.idx.msk [tilespmem:v0+s17+$0x430 ss:$0x1], $0xffff;
	[tilespmem:s19+$0x28A0 ss:$0x41] =	vst.msk $0xffff, v2  }
0x52: {  	v11 =	vld [tilespmem:s24+$0x400];
	[tilespmem:s19+$0x2CB0 ss:$0x41] =	vst.msk $0xffff, v3  }
0x53: {  	v12 =	vld [tilespmem:s24+$0x0];
	[tilespmem:s19+$0x30C0 ss:$0x41] =	vst.msk $0xffff, v4  }
0x54: {  	v4 =	vld [tilespmem:s24+$0x10];
	[tilespmem:s19+$0x34D0 ss:$0x41] =	vst.msk $0xffff, v5  }
0x55: {  	s25 =	sshra.s32 s20, $0x2;
	s20 =	smov.u32 s23;
	v1 =	vmov v9;
	v5 =	vld [tilespmem:s24+$0x20];
	[tilespmem:s19+$0x38E0 ss:$0x41] =	vst.msk $0xffff, v6  }
0x56: {  	v2 =	vmov v7;
	v6 =	vld [tilespmem:s24+$0x30];
	[tilespmem:s19+$0x3CF0 ss:$0x41] =	vst.msk $0xffff, v8;
	s19 =	sadd.s32 s25, s18  }
0x57: {  	v3 =	vmov v10;
	v9 =	vld [tilespmem:s24+$0x40];
	[tilespmem:s19+$0x2080 ss:$0x41] =	vst.msk $0xffff, v11  }
0x58: {  	[tilespmem:s19+$0x0 ss:$0x41] =	vst.msk $0xffff, v12;
	v10 =	vld [tilespmem:s24+$0x50]  }
.Ltmp3:
0x59: {  	[tilespmem:s19+$0x410 ss:$0x41] =	vst.msk $0xffff, v4;
	v8 =	vld [tilespmem:s24+$0x60];
	(pc) =	sbr.rel @p1 .LBB1_3-.Ltmp3, $4  }
0x5a: {  	[tilespmem:s19+$0x820 ss:$0x41] =	vst.msk $0xffff, v5;
	v7 =	vld [tilespmem:s24+$0x70]  }
0x5b: {  	[tilespmem:s19+$0xC30 ss:$0x41] =	vst.msk $0xffff, v6;
	v4 =	vld.idx.msk [tilespmem:v0+s17+$0x440 ss:$0x1], $0xffff  }
0x5c: {  	s21 =	sadd.s32 $0x80, s21;
	s22 =	sadd.s32 $0x100, s22;
	[tilespmem:s19+$0x1040 ss:$0x41] =	vst.msk $0xffff, v9;
	v5 =	vld.idx.msk [tilespmem:v0+s17+$0x450 ss:$0x1], $0xffff  }
0x5d: {  	s23 =	sadd.s32 $0x4, s23;
	s25 =	sand.u32 $0x380, s21;
	s24 =	sand.u32 $0x3800, s22;
	[tilespmem:s19+$0x1450 ss:$0x41] =	vst.msk $0xffff, v10;
	v6 =	vld.idx.msk [tilespmem:v0+s17+$0x460 ss:$0x1], $0xffff  }
.Ltmp4:
0x5e: {  	_ = 	snop;
	(pc) =	sbr.rel .LBB1_4-.Ltmp4, $1  }
0x5f: {  	_ =	sdelay $0x3  }
.LBB1_6:
0x60: {  	_ =	sfence.sel $0x180000  }
0x61: {  	s1 =	simm.s32 $0x1;
	[bflag:$0x0] =	sbarrier.arrive $0xFFFF  }
0x62: {  	s31 =	simm.s32 $0x2;
	[sflag:s1] =	ssyncpa.u1 $0x1  }
0x63: {  	[sflag:s31] =	ssyncpa.u1 $0x1  }
0x64: {  	p0 =	sne.s32 s0, $0x0;
	_ =	strace $0x90000047  }
0x65: {  	s0 =	sadd.s32 @!p0 $0x100000, s3;
	[bflag:$0x2] =	sbarrier.arrive $0xFFFF  }
0x66: {  	[sflag:s0] =	ssyncadd.tile.s32 @!p0 $0x1;
	_ =	shalt  }
.Lfunc_end1:
_tile_overlayer_lowered:
.L_overlay_start_2:
0x67: {  	(tag) =	ssettag $0x2  }
0x68: {  	s0 =	rddreg [dreg:$0x0];
	s2 =	stileid.u32  }
0x69: {  	s1 =	rddreg [dreg:$0x1];
	p0 =	sne.s32 s2, $0x0  }
0x6a: {  	s3 =	rddreg [dreg:$0x2];
	[bflag:$0x3] =	sbarrier.arrive $0xFFFF;
	s2 =	simm.s32 @!p0 $0x1C01  }
0x6b: {  	[timem:s3], [sflag:s2] =	dma.local @!p0 [hbm:s0], s1  }
0x6c: {  	s0 =	simm.s32 @!p0 $0x1  }
0x6d: {  	_ =	swait.ge @!p0 [sflag:s0], s1  }
0x6e: {  	s1 =	ssub.s32 @!p0 $0x0, s1;
	[sflag:s0] =	ssyncset.done @!p0 $0x0  }
0x6f: {  	[sflag:s0] =	ssyncadd.s32 @!p0 s1  }
0x70: {  	[bflag:$0x3] =	sbarrier.arrive $0xFFFF  }
0x71: {  	_ =	shalt  }

// kernel: sparse-core-data-format-call.cloned.1.call-start
scs
called_computation_lowered:
.L_overlay_start_0:
0x0: {  	s2 =	sld [smem:$0x3FD9]  }
0x1: {  	s3 =	sld [smem:$0x3FFE];
	_ =	sdelay $0x1  }
0x2: {  	s1 =	srdreg.scid  }
0x3: {  	s0 =	sand.u32 $0x1, s1  }
0x4: {  	s16 =	sshll.u32 s0, $0xA;
	s2 =	sadd.s32 s3, s2  }
0x5: {  	s2 =	sadd.s32 s2, s16  }
0x6: {  	[smem:$0x3FC6] =	sst s2  }
0x7: {  	_ = 	snop  }
0x8: {  	s2 =	sld [smem:$0x3FD0];
	_ =	sdelay $0x2  }
0x9: {  	s17 =	simm.s32 $0xB;
	s4 =	simm.s32 $0x10  }
0xa: {  	[smem:s4], [sflag:s17] =	dma.local [hbm:s2], $0x1  }
0xb: {  	_ =	swait.eq [sflag:s17], $0x1  }
0xc: {  	[sflag:s17] =	ssyncset.done $0x0  }
0xd: {  	[sflag:s17] =	ssyncadd.s32 $0xFFFFFFFF  }
0xe: {  	s18 =	sld [smem:$0x11];
	(tm) =	ssettm $0x1  }
0xf: {  	s19 =	sld [smem:$0x3FFB];
	_ =	sdelay $0x3  }
0x10: {  	_ =	strace s19  }
0x11: {  	s2 =	sld [smem:$0x3FFC];
	_ =	sdelay $0x3  }
0x12: {  	_ =	strace s2  }
0x13: {  	s2 =	sld [smem:$0x3FFD];
	_ =	sdelay $0x3  }
0x14: {  	_ =	strace s2  }
0x15: {  	_ =	strace $0x8FFFFFFF  }
0x16: {  	s20 =	sld [smem:$0x3FDB];
	_ =	sdelay $0x1  }
0x17: {  	s21 =	simm.s32 $_scs_section_size  }
0x18: {  	s5 =	simm.s32 $_size__tile_overlayer_lowered;
	s6 =	simm.s32 $_tile_overlayer_lowered  }
0x19: {  	s7 =	simm.s32 $0x1BFF;
	s22 =	sshll.u32 s6, $0x1;
	s4 =	sadd.s32 s21, s20  }
0x1a: {  	s23 =	simm.s32 $0x0;
	s5 =	sshll.u32 s5, $0x1;
	s6 =	sadd.s32 s22, s4  }
0x1b: {  	[timem:s23], [sflag:s7] =	dma.local [hbm:s6], s5  }
0x1c: {  	_ =	swait.ge [sflag:s7], s5  }
0x1d: {  	s5 =	ssub.s32 $0x0, s5;
	[sflag:s7] =	ssyncset.done $0x0  }
0x1e: {  	[sflag:s7] =	ssyncadd.s32 s5;
	_ =	sdelay $0x1  }
0x1f: {  	s24 =	simm.s32 $0x1B8B  }
0x20: {  	_ =	swait.ge [sflag:s24], $0x1  }
0x21: {  	[sflag:s24] =	ssyncset.done $0x0  }
0x22: {  	[sflag:s24] =	ssyncadd.s32 $0xFFFFFFFF  }
0x23: {  	s5 =	sld [smem:$0x0]  }
0x24: {  	s6 =	sand.u32 $0xFFFFFFFE, s1  }
0x25: {  	p0 =	sne.s32 s1, s6  }
0x26: {  	s6 =	sshll.u32 @p0 s6, $0xE  }
0x27: {  	s6 =	sadd.s32 @p0 $0x11B8D, s6;
	s7 =	sshll.u32 @p0 s5, $0x11  }
0x28: {  	s6 =	sor.u32 @p0 s7, s6  }
0x29: {  	[sflag:s6] =	ssyncadd.remote.s32 @p0 $0x1;
	_ =	sdelay $0x1  }
0x2a: {  	s6 =	simm.s32 @p0 $0x1B8D  }
0x2b: {  	_ =	swait.eq @p0 [sflag:s6], $0x1  }
0x2c: {  	[sflag:s6] =	ssyncadd.s32 @p0 $0xFFFFFFFF  }
0x2d: {  	s7 =	sshll.u32 @!p0 s1, $0xE  }
0x2e: {  	s7 =	sor.u32 @!p0 $0x4000, s7;
	s6 =	simm.s32 @!p0 $0x1B8D  }
0x2f: {  	s5 =	sshll.u32 @!p0 s5, $0x11;
	s7 =	sadd.s32 @!p0 $0x11B8D, s7;
	_ =	swait.eq @!p0 [sflag:s6], $0x1  }
0x30: {  	s5 =	sor.u32 @!p0 s5, s7;
	[sflag:s6] =	ssyncadd.s32 @!p0 $0xFFFFFFFF  }
0x31: {  	s26 =	simm.s32 $0x1B8E;
	s25 =	sld [smem:$0x3FFE];
	[sflag:s5] =	ssyncadd.remote.s32 @!p0 $0x1  }
0x32: {  	s27 =	simm.s32 $execute0_lowered;
	[smem:$0x3FD2] =	sst s26  }
0x33: {  	s6 =	sshll.u32 s27, $0x1;
	_ =	strace $0x8000004C;
	[dreg:$0x1] =	wrdreg $0xFFFFFFFF  }
0x34: {  	s28 =	simm.s32 $_size_execute0_lowered;
	s4 =	sadd.s32 s4, s6;
	[dreg:$0x0] =	wrdreg $0x0  }
0x35: {  	s6 =	sshll.u32 s28, $0x1;
	[dreg:$0x2] =	wrdreg s4  }
0x36: {  	[dreg:$0x3] =	wrdreg s6  }
0x37: {  	[dreg:$0x4] =	wrdreg $0xC0  }
0x38: {  	_ =	task [dreg:s23], $0x5FFFF  }
0x39: {  	[dreg:$0x1] =	wrdreg $0xFFFFFFFF  }
0x3a: {  	[dreg:$0x0] =	wrdreg $0x60  }
0x3b: {  	[dreg:$0x2] =	wrdreg s25  }
0x3c: {  	[dreg:$0x3] =	wrdreg s18  }
0x3d: {  	[dreg:$0x4] =	wrdreg $0x9  }
0x3e: {  	_ =	task.clear_ibuf [dreg:s23], $0x5FFFF;
	_ =	strace $0x9000004C  }
0x3f: {  	s29 =	simm.s32 $0x9;
	_ =	strace $0x8000004E  }
0x40: {  	_ =	swait.ge [sflag:s29], $0x1  }
0x41: {  	[sflag:s29] =	ssyncadd.s32 $0xFFFFFFFF  }
0x42: {  	_ =	strace $0x9000004E  }
0x43: {  	_ =	sfence  }
0x44: {  	s30 =	sld [smem:$0x0];
	_ =	sdelay $0x2  }
0x45: {  	s31 =	sshll.u32 s1, $0xD;
	s1 =	sshrl.u32 s1, $0x2  }
0x46: {  	s4 =	sand.u32 $0x4000, s31;
	s1 =	sadd.s32 s1, s30  }
0x47: {  	s0 =	sor.u32 s4, s0;
	s1 =	sshll.u32 s1, $0x11  }
0x48: {  	s0 =	sor.u32 s1, s0  }
0x49: {  	s0 =	sadd.s32 $0x8F2B, s0  }
0x4a: {  	[sflag:s0] =	ssyncadd.remote.s32 $0x1  }
0x4b: {  	_ =	sfence.sel $0xFFFF  }
0x4c: {  	[dreg:$0x0] =	wrdreg $0xFFFFFFFF;
	(pc) =	sbr.abs _section_cstart, $3  }
0x4d: {  	[dreg:$0x1] =	wrdreg $0xFFFFFFFF  }
0x4e: {  	_ =	task.clear_ibuf [dreg:s23], $0x2FFFF;
	_ =	strace $0x9FFFFFFF  }
0x4f: {  	(tm) =	ssettm $0x7FFFFFFF  }
tec
execute0_lowered:
.L_overlay_start_1:
0x0: {  	(tag) =	ssettag $0x1  }
0x1: {  	s0 =	srdreg.scid  }
0x2: {  	s1 =	sshll.u32 s0, $0x4  }
0x3: {  	s6 =	rddreg [dreg:$0x0];
	s0 =	stileid.u32;
	s1 =	sand.u32 $0x10, s1  }
0x4: {  	s3 =	rddreg [dreg:$0x1];
	s1 =	sor.u32 s0, s1  }
0x5: {  	s5 =	simm.s32 $0x1;
	s31 =	simm.s32 $0x2;
	s2 =	sshll.u32 s1, $0x7  }
0x6: {  	s14 =	simm.s32 $0x0;
	s8 =	simm.s32 $0x1000;
	s4 =	ssub.s32 $0x1000, s2  }
0x7: {  	s9 =	simm.s32 $0x0;
	s15 =	simm.s32 $0x0;
	s30 =	sand.u32 $0xF80, s4  }
0x8: {  	s16 =	simm.s32 $0x0;
	s10 =	simm.s32 $0x0;
	p0 =	sne.s32 s30, $0x0  }
.Ltmp0:
0x9: {  	s7 =	sshrl.u32 s4, $0xC;
	s5 =	simm.s32 @!p0 $0x0;
	(pc) =	sbr.rel .LBB1_1-.Ltmp0, $4  }
0xa: {  	s11 =	simm.s32 $0x0;
	s1 =	rddreg [dreg:$0x2];
	s5 =	sadd.s32 s5, s7  }
0xb: {  	_ =	strace $0x8000004D;
	s4 =	simm.s32 $0x1;
	s5 =	smul.u32 $0xC8, s5  }
0xc: {  	s13 =	simm.s32 $0x0;
	s6 =	sadd.s32 $0x9C1000, s6;
	[sflag:s4] =	ssyncpa.u1 $0x0  }
0xd: {  	s12 =	smov.u32 s2;
	[sflag:s31] =	ssyncpa.u1 $0x0;
	s7 =	sor.u32 $0x1, s5  }
.LBB1_4:
0xe: {  	_ =	sdelay $0x3  }
0xf: {  	[tilespmem:v0+s19+$0xFFFFFFD0 ss:$0x1] =	vst.idx.msk $0xffff, v6  }
0x10: {  	v56 =	vld.idx.msk [tilespmem:v1+s18+$0x0 ss:$0x1], $0xffff;
	[tilespmem:v0+s19+$0xFFFFFFE0 ss:$0x1] =	vst.idx.msk $0xffff, v4  }
0x11: {  	v57 =	vld.idx.msk [tilespmem:v1+s18+$0xFFFFFF90 ss:$0x1], $0xffff;
	[tilespmem:v0+s19+$0xFFFFFFF0 ss:$0x1] =	vst.idx.msk $0xffff, v2  }
0x12: {  	v58 =	vld.idx.msk [tilespmem:v1+s18+$0xFFFFFFA0 ss:$0x1], $0xffff;
	[tilespmem:v0+s19+$0x0 ss:$0x1] =	vst.idx.msk $0xffff, v3  }
0x13: {  	v59 =	vld.idx.msk [tilespmem:v1+s18+$0xFFFFFFB0 ss:$0x1], $0xffff;
	[tilespmem:v0+s19+$0x10 ss:$0x1] =	vst.idx.msk $0xffff, v5  }
0x14: {  	v60 =	vld.idx.msk [tilespmem:v1+s18+$0xFFFFFFC0 ss:$0x1], $0xffff;
	[tilespmem:v0+s19+$0x20 ss:$0x1] =	vst.idx.msk $0xffff, v7  }
0x15: {  	v61 =	vld.idx.msk [tilespmem:v1+s18+$0xFFFFFFD0 ss:$0x1], $0xffff;
	s27 =	sshll.u32 s16, $0x9;
	[tilespmem:v0+s18+$0x30 ss:$0x1] =	vst.idx.msk $0xffff, v56  }
0x16: {  	s20 =	sshll.u32 s14, $0x3;
	v62 =	vld.idx.msk [tilespmem:v1+s18+$0xFFFFFFE0 ss:$0x1], $0xffff;
	s28 =	sshll.u32 s16, $0x7;
	s30 =	sand.u32 $0x78, s14;
	[tilespmem:v0+s18+$0xFFFFFFC0 ss:$0x1] =	vst.idx.msk $0xffff, v57  }
0x17: {  	v63 =	vld.idx.msk [tilespmem:v1+s18+$0xFFFFFFF0 ss:$0x1], $0xffff;
	s15 =	sshll.u32 s15, $0x12;
	s19 =	sand.u32 $0x1FF000, s27;
	s20 =	sand.u32 $0x1FFC00, s20;
	[tilespmem:v0+s18+$0xFFFFFFD0 ss:$0x1] =	vst.idx.msk $0xffff, v58  }
0x18: {  	s29 =	sand.u32 $0x200, s28;
	s16 =	sand.u32 $0x180, s28;
	s19 =	sadd.s32 s19, s20;
	[tilespmem:v0+s18+$0xFFFFFFE0 ss:$0x1] =	vst.idx.msk $0xffff, v59  }
0x19: {  	s31 =	sand.u32 $0x7, s14;
	s16 =	sor.u32 s16, s30;
	s19 =	sor.u32 s29, s19;
	[tilespmem:v0+s18+$0xFFFFFFF0 ss:$0x1] =	vst.idx.msk $0xffff, v60  }
0x1a: {  	s15 =	sadd.s32 s3, s15;
	s16 =	sshrl.u32 s16, $0x3;
	s19 =	sshrl.u32 s19, $0x3;
	[tilespmem:v0+s18+$0x0 ss:$0x1] =	vst.idx.msk $0xffff, v61  }
0x1b: {  	s14 =	sshll.u32 s31, $0x12;
	s15 =	sadd.s32 s16, s15;
	[tilespmem:v0+s18+$0x10 ss:$0x1] =	vst.idx.msk $0xffff, v62;
	s19 =	sand.u32 $0x3FFC0, s19  }
0x1c: {  	s14 =	sor.u32 $0x400, s14;
	[tilespmem:v0+s18+$0x20 ss:$0x1] =	vst.idx.msk $0xffff, v63;
	s15 =	sadd.s32 s19, s15  }
0x1d: {  	[hbm4b:s15+s14] =	stream.strided.scatter [tilespmem:s17], [sflag:$0x2], $0x4000, s8, s14, $0x38;
	[tilespmem:$0x10000] =	vst v63  }
.LBB1_5:
0x1e: {  	s17 =	sadd.s32 $0x80, s10  }
0x1f: {  	s14 =	simm.s32 $0x1;
	p1 =	sgt.s32 s17, $0x1FF  }
0x20: {  	s14 =	simm.s32 @!p1 $0x0  }
0x21: {  	s18 =	sadd.s32 s14, s11  }
0x22: {  	s20 =	smov.u32 s12;
	s14 =	sadd.s32 $0x1000, s12;
	p2 =	sgt.s32 s18, $0x31  }
0x23: {  	s20 =	smov.u32 @p2 s14  }
0x24: {  	p0 =	slt.u32 s13, $0x2;
	s17 =	simm.s32 @p1 $0x0;
	p1 =	sgt.s32 s20, $0xFFF  }
0x25: {  	s19 =	simm.s32 @!p0 $0x2;
	s20 =	smov.u32 @p1 s2;
	p1 =	sne.s32 s13, s7  }
.Ltmp1:
0x26: {  	_ =	swait.ge @!p0 [sflag:s19], $0x4000;
	(pc) =	sbr.rel @!p1 .LBB1_6-.Ltmp1, $4  }
0x27: {  	s15 =	smov.u32 s11;
	[sflag:s19] =	ssyncset.done @!p0 $0x0  }
0x28: {  	s16 =	smov.u32 s12;
	s9 =	sadd.s32 $0x4000, s9;
	[sflag:s19] =	ssyncadd.s32 @!p0 $0xFFFFC000  }
0x29: {  	s18 =	simm.s32 @p2 $0x0;
	s14 =	smov.u32 s10;
	s10 =	smov.u32 s17  }
0x2a: {  	s11 =	smov.u32 s18;
	s13 =	sadd.s32 $0x1, s13;
	s12 =	smov.u32 s20  }
.LBB1_1:
0x2b: {  	p0 =	sge.u32 s13, s5  }
0x2c: {  	s17 =	sshll.u32 @!p0 s11, $0x9;
	s18 =	sshll.u32 @!p0 s10, $0x3  }
0x2d: {  	s19 =	sshll.u32 @!p0 s11, $0x7;
	s17 =	sand.u32 @!p0 $0xFFFFF000, s17;
	s18 =	sand.u32 @!p0 $0xFFFFFC00, s18  }
0x2e: {  	s17 =	sadd.s32 @!p0 s17, s18;
	s18 =	sand.u32 @!p0 $0x200, s19  }
0x2f: {  	s17 =	sor.u32 @!p0 s18, s17  }
0x30: {  	s17 =	sshrl.u32 @!p0 s17, $0x9  }
0x31: {  	s31 =	sadd.s32 $0xFFFFFFFF, s13;
	s18 =	smulhi.u32 @!p0 $0x4924925, s17  }
0x32: {  	s20 =	sxor.u32 @!p0 $0xFFFFFFFF, s13;
	s21 =	sand.u32 @!p0 $0x78, s10;
	s22 =	smul.u32 @!p0 $0xE00, s12  }
0x33: {  	s20 =	sshll.u32 @!p0 s20, $0xE;
	s19 =	sand.u32 @!p0 $0x180, s19;
	s18 =	smul.u32 @!p0 $0x38, s18  }
0x34: {  	s20 =	sand.u32 @!p0 $0x4000, s20;
	s19 =	sor.u32 @!p0 s21, s19;
	s21 =	sand.u32 @!p0 $0x7, s10  }
0x35: {  	s17 =	ssub.s32 @!p0 s17, s18;
	s18 =	sshrl.u32 @!p0 s19, $0x3;
	s19 =	sadd.s32 @!p0 s6, s22  }
0x36: {  	s17 =	sshll.u32 @!p0 s17, $0x6;
	s18 =	sadd.s32 @!p0 s18, s19;
	s19 =	sshll.u32 @!p0 s21, $0x12  }
0x37: {  	s17 =	sadd.s32 @!p0 s17, s18;
	s18 =	sor.u32 @!p0 $0x80, s19;
	s19 =	simm.s32 @!p0 $0x7000  }
0x38: {  	[tilespmem:s20], [sflag:$0x1] =	stream.strided.gather @!p0 [hbm4b:s17+s18], $0x4000, s19, s18, $0x38;
	[tilespmem:$0x10000] =	vst v63  }
0x39: {  	p0 =	sge.u32 s31, s5  }
.Ltmp2:
0x3a: {  	_ = 	snop;
	(pc) =	sbr.rel @p0 .LBB1_5-.Ltmp2, $1  }
0x3b: {  	_ =	sdelay $0x3  }
0x3c: {  	s17 =	sand.u32 $0x4000, s9  }
0x3d: {  	s18 =	sor.u32 $0x70, s17  }
0x3e: {  	v1 =	vmov s18;
	_ =	sdelay $0x1  }
0x3f: {  	_ =	swait.ge [sflag:s4], $0x4000  }
0x40: {  	[sflag:s4] =	ssyncset.done $0x0  }
0x41: {  	s19 =	simm.s32 $0x0;
	[sflag:s4] =	ssyncadd.s32 $0xFFFFC000  }
0x42: {  	s17 =	sor.u32 $0x8040, s17;
	v7 =	vld.idx.msk [tilespmem:v1+s19+$0x0 ss:$0x1], $0xffff  }
0x43: {  	v0 =	vmov s17;
	v8 =	vld.idx.msk [tilespmem:v1+s19+$0xFFFFFF90 ss:$0x1], $0xffff  }
0x44: {  	v6 =	vld.idx.msk [tilespmem:v1+s19+$0xFFFFFFA0 ss:$0x1], $0xffff  }
0x45: {  	v4 =	vld.idx.msk [tilespmem:v1+s19+$0xFFFFFFB0 ss:$0x1], $0xffff  }
0x46: {  	v2 =	vld.idx.msk [tilespmem:v1+s19+$0xFFFFFFC0 ss:$0x1], $0xffff  }
0x47: {  	s31 =	sshll.u32 s13, $0xE;
	v3 =	vld.idx.msk [tilespmem:v1+s19+$0xFFFFFFD0 ss:$0x1], $0xffff  }
0x48: {  	s17 =	sand.u32 $0x4000, s31;
	v5 =	vld.idx.msk [tilespmem:v1+s19+$0xFFFFFFE0 ss:$0x1], $0xffff;
	[tilespmem:v0+s19+$0x30 ss:$0x1] =	vst.idx.msk $0xffff, v7  }
0x49: {  	s20 =	simm.s32 $0x400;
	s18 =	simm.s32 $0x80;
	s17 =	sor.u32 $0x8000, s17;
	[tilespmem:v0+s19+$0xFFFFFFC0 ss:$0x1] =	vst.idx.msk $0xffff, v8;
	v7 =	vld.idx.msk [tilespmem:v1+s19+$0xFFFFFFF0 ss:$0x1], $0xffff  }
.LBB1_3:
0x4a: {  	p0 =	sne.s32 s20, $0xFE00;
	v8 =	vld.idx.msk [tilespmem:v1+s18+$0x0 ss:$0x1], $0xffff;
	[tilespmem:v0+s19+$0xFFFFFFD0 ss:$0x1] =	vst.idx.msk $0xffff, v6  }
0x4b: {  	v9 =	vld.idx.msk [tilespmem:v1+s18+$0xFFFFFF90 ss:$0x1], $0xffff;
	[tilespmem:v0+s19+$0xFFFFFFE0 ss:$0x1] =	vst.idx.msk $0xffff, v4  }
0x4c: {  	v6 =	vld.idx.msk [tilespmem:v1+s18+$0xFFFFFFA0 ss:$0x1], $0xffff;
	[tilespmem:v0+s19+$0xFFFFFFF0 ss:$0x1] =	vst.idx.msk $0xffff, v2  }
.Ltmp3:
0x4d: {  	v4 =	vld.idx.msk [tilespmem:v1+s18+$0xFFFFFFB0 ss:$0x1], $0xffff;
	[tilespmem:v0+s19+$0x0 ss:$0x1] =	vst.idx.msk $0xffff, v3;
	(pc) =	sbr.rel @p0 .LBB1_3-.Ltmp3, $4  }
0x4e: {  	v2 =	vld.idx.msk [tilespmem:v1+s18+$0xFFFFFFC0 ss:$0x1], $0xffff;
	[tilespmem:v0+s19+$0x10 ss:$0x1] =	vst.idx.msk $0xffff, v5  }
0x4f: {  	v3 =	vld.idx.msk [tilespmem:v1+s18+$0xFFFFFFD0 ss:$0x1], $0xffff;
	[tilespmem:v0+s19+$0x20 ss:$0x1] =	vst.idx.msk $0xffff, v7;
	s19 =	smov.u32 s18  }
0x50: {  	v5 =	vld.idx.msk [tilespmem:v1+s19+$0xFFFFFFE0 ss:$0x1], $0xffff;
	[tilespmem:v0+s19+$0x30 ss:$0x1] =	vst.idx.msk $0xffff, v8  }
0x51: {  	s18 =	sshra.s32 s20, $0x2;
	s20 =	sadd.s32 $0x200, s20;
	[tilespmem:v0+s19+$0xFFFFFFC0 ss:$0x1] =	vst.idx.msk $0xffff, v9;
	v7 =	vld.idx.msk [tilespmem:v1+s19+$0xFFFFFFF0 ss:$0x1], $0xffff  }
.Ltmp4:
0x52: {  	_ = 	snop;
	(pc) =	sbr.rel .LBB1_4-.Ltmp4, $1  }
0x53: {  	_ =	sdelay $0x3  }
.LBB1_6:
0x54: {  	_ =	sfence.sel $0x180000  }
0x55: {  	s2 =	simm.s32 $0x1;
	[bflag:$0x0] =	sbarrier.arrive $0xFFFF  }
0x56: {  	s31 =	simm.s32 $0x2;
	[sflag:s2] =	ssyncpa.u1 $0x1  }
0x57: {  	[sflag:s31] =	ssyncpa.u1 $0x1  }
0x58: {  	p0 =	sne.s32 s0, $0x0;
	_ =	strace $0x9000004D  }
0x59: {  	s0 =	sadd.s32 @!p0 $0x100000, s1;
	[bflag:$0x2] =	sbarrier.arrive $0xFFFF  }
0x5a: {  	[sflag:s0] =	ssyncadd.tile.s32 @!p0 $0x1;
	_ =	shalt  }
.Lfunc_end1:
_tile_overlayer_lowered:
.L_overlay_start_2:
0x5b: {  	(tag) =	ssettag $0x2  }
0x5c: {  	s0 =	rddreg [dreg:$0x0];
	s2 =	stileid.u32  }
0x5d: {  	s1 =	rddreg [dreg:$0x1];
	p0 =	sne.s32 s2, $0x0  }
0x5e: {  	s3 =	rddreg [dreg:$0x2];
	[bflag:$0x3] =	sbarrier.arrive $0xFFFF;
	s2 =	simm.s32 @!p0 $0x1C01  }
0x5f: {  	[timem:s3], [sflag:s2] =	dma.local @!p0 [hbm:s0], s1  }
0x60: {  	s0 =	simm.s32 @!p0 $0x1  }
0x61: {  	_ =	swait.ge @!p0 [sflag:s0], s1  }
0x62: {  	s1 =	ssub.s32 @!p0 $0x0, s1;
	[sflag:s0] =	ssyncset.done @!p0 $0x0  }
0x63: {  	[sflag:s0] =	ssyncadd.s32 @!p0 s1  }
0x64: {  	[bflag:$0x3] =	sbarrier.arrive $0xFFFF  }
0x65: {  	_ =	shalt  }

</sc_bundles>
